<compile_context>
chip_gen: v7x
topology: tpu7x:2x2x1
jax: 0.10.2.dev20260603
libtpu: 0.0.44.dev20260713+nightly
codegen_flags: <defaults>
</compile_context>

<pallas_src>
import functools
import math

import jax
import jax.numpy as jnp
from jax import lax
from jax.experimental import pallas as pl
from jax.experimental.pallas import tpu as pltpu
from jax.experimental.pallas import tpu_sc as plsc

_N = 8192
_B = 16384
_NUM_CORES = 2
_NUM_SUBCORES = 16
_NUM_WORKERS = _NUM_CORES * _NUM_SUBCORES
_LANES = 16
_CHUNK = _B // _NUM_WORKERS
_VECS = _CHUNK // _LANES

_H = 1.0 / (_N - 1)
_VAR = 100.0 / (1.0 + math.exp(-1.0))
_A = 0.5 * _VAR
_W = math.exp(-_A * _H)
_OMW = 1.0 - _W
_Q = math.exp(-_A * (1.0 + _H))
_CR = (_N - 1) * _W - _N


def _body(x_hbm, out_hbm, xv, ov, sem_x):
  wid = lax.axis_index("s") * _NUM_CORES + lax.axis_index("c")
  base = wid * _CHUNK
  pltpu.async_copy(x_hbm.at[pl.ds(base, _CHUNK)], xv, sem_x).wait()

  one = jnp.float32(1.0)
  h = jnp.float32(_H)
  nf = jnp.float32(_N - 1)
  a = jnp.float32(_A)
  w = jnp.float32(_W)
  omw = jnp.float32(_OMW)
  q = jnp.float32(_Q)
  cr = jnp.float32(_CR)

  @plsc.parallel_loop(0, _CHUNK, step=_LANES, unroll=1)
  def _loop(i):
    t = xv[pl.ds(i, _LANES)]
    t = jnp.minimum(jnp.maximum(t, jnp.float32(0.0)), one)

    mi = (t * nf).astype(jnp.int32)
    mi = jnp.minimum(mi, jnp.int32(_N - 2))
    m = mi.astype(jnp.float32)

    d0 = t - m * h
    e0 = jnp.exp(-a * d0)
    p = jnp.exp(-a * t)
    e1 = w / e0
    tail_l = p * w
    tail_r = q / p
    s01 = e0 + e1
    tp = m * s01 * omw + e1 - e0 * w + tail_l + cr * tail_r
    sp = s01 - tail_l - tail_r
    ov[pl.ds(i, _LANES)] = h * tp / (omw * sp)

  pltpu.sync_copy(ov, out_hbm.at[pl.ds(base, _CHUNK)])


_mesh = plsc.VectorSubcoreMesh(core_axis_name="c", subcore_axis_name="s")

_wave_shaper_sc = functools.partial(
    pl.kernel,
    mesh=_mesh,
    out_type=jax.ShapeDtypeStruct((_B,), jnp.float32),
    compiler_params=pltpu.CompilerParams(needs_layout_passes=False),
    scratch_types=[
        pltpu.VMEM((_CHUNK,), jnp.float32),
        pltpu.VMEM((_CHUNK,), jnp.float32),
        pltpu.SemaphoreType.DMA,
    ],
)(_body)


@jax.jit
def kernel(x, params, params_var, params_X):
  del params, params_var, params_X
  out = _wave_shaper_sc(x.reshape(-1))
  return out.reshape(-1, 1)

# --- scband reference (transcript-rebuilt; emitter-appended) ---
"""Pipeline reference for scband-wave-shaper-3375844294967 (READ-ONLY COPY).

The authoritative reference and input builder live on the scoring server;
editing this copy changes nothing except your own understanding.
"""

import jax, jax.numpy as jnp
import numpy as np

N = 8192
B = 16384

def setup_inputs(seed: int = 0) -> dict:
    key = jax.random.key(seed)
    x = jax.random.uniform(jax.random.fold_in(key, 0), (B, 1), dtype=jnp.float32)
    params = jnp.linspace(0.0, 1.0, N, dtype=jnp.float32)
    params_var = jnp.ones((N,), dtype=jnp.float32)
    params_X = jnp.linspace(0.0, 1.0, N, dtype=jnp.float32)
    return {"x": x, "params": params, "params_var": params_var, "params_X": params_X}

def reference(x, params, params_var, params_X):
    x = jnp.clip(x, 0.0, 1.0)
    pX = params_X.at[0].set(0.0).at[-1].set(1.0)
    dist = pX[None, :] - x  # [B, N]
    values, indices = jax.lax.top_k(-jnp.abs(dist), 2)  # [B, 2]
    closest_vars = params_var[indices]  # gather, [B, 2]
    var_weights = 1.0 / (-values + 1e-06)
    var_weights = var_weights / jnp.sum(var_weights, axis=-1, keepdims=True)
    var = jnp.sum(closest_vars * var_weights, axis=1, keepdims=True)  # [B, 1]
    var = 100.0 * jax.nn.sigmoid(var)
    d = jnp.exp(-0.5 * jnp.abs(dist) * var)
    d = d / jnp.sum(d, axis=-1, keepdims=True)
    interpolated_x = jnp.sum(d * params[None, :], axis=-1, keepdims=True)  # [B, 1]
    return interpolated_x

if __name__ == "__main__":
    import jax
    _d = setup_inputs()
    print(jax.jit(kernel)(*tuple(_d.values())))

</pallas_src>

<mosaic_0001>
#map = affine_map<(d0, d1) -> (0)>
module attributes {stable_mosaic.version = 14 : i64} {
  func.func @_body(%arg0: i32, %arg1: i32, %arg2: memref<16384xf32, #tpu.memory_space<hbm>>, %arg3: memref<16384xf32, #tpu.memory_space<hbm>>, %arg4: memref<512xf32, #tpu.memory_space<vmem>>, %arg5: memref<512xf32, #tpu.memory_space<vmem>>, %arg6: memref<!tpu.dma_semaphore, #tpu.memory_space<semaphore_mem>>) attributes {dimension_semantics = [#tpu.dimension_semantics<core_parallel>, #tpu.dimension_semantics<subcore_parallel>], iteration_bounds = array<i64: 2, 16>, scalar_prefetch = 0 : i64, scratch_operands = 3 : i64, tpu.core_type = #tpu.core_type<sc_vector_subcore>, window_params = [{transform_indices = #map}, {transform_indices = #map}]} {
    %mul3A = arith.constant 2 : i32
    %mul3A_0 = arith.muli %arg1, %mul3A : i32
    %add3A = arith.addi %mul3A_0, %arg0 : i32
    %mul3A_1 = arith.constant 512 : i32
    %mul3A_2 = arith.muli %add3A, %mul3A_1 : i32
    %dma_start3A = tpu.memref_slice %arg2[%mul3A_2] : memref<16384xf32, #tpu.memory_space<hbm>> -> memref<512xf32, #tpu.memory_space<hbm>>
    %dma_start3A_3 = tpu.memref_slice %arg2[%mul3A_2] : memref<16384xf32, #tpu.memory_space<hbm>> -> memref<512xf32, #tpu.memory_space<hbm>>
    tpu.enqueue_dma source(%dma_start3A_3 : memref<512xf32, #tpu.memory_space<hbm>>) target(%arg4 : memref<512xf32, #tpu.memory_space<vmem>>) target_semaphore(%arg6 : memref<!tpu.dma_semaphore, #tpu.memory_space<semaphore_mem>>)
    %dma_wait3A = tpu.memref_slice %arg2[%mul3A_2] : memref<16384xf32, #tpu.memory_space<hbm>> -> memref<512xf32, #tpu.memory_space<hbm>>
    %dma_wait3A_4 = tpu.memref_slice %arg2[%mul3A_2] : memref<16384xf32, #tpu.memory_space<hbm>> -> memref<512xf32, #tpu.memory_space<hbm>>
    tpu.wait_dma2 semaphore(%arg6 : memref<!tpu.dma_semaphore, #tpu.memory_space<semaphore_mem>>) src(%dma_wait3A_4 : memref<512xf32, #tpu.memory_space<hbm>>) dst(%arg4 : memref<512xf32, #tpu.memory_space<vmem>>)
    %parallel_loop3A = arith.constant 0 : i32
    %parallel_loop3A_5 = arith.constant 512 : i32
    %parallel_loop3A_6 = arith.constant 16 : i32
    %parallel_loop3A_7 = arith.constant 1.000000e+00 : f32
    %parallel_loop3A_8 = arith.constant 8.191000e+03 : f32
    %parallel_loop3A_9 = arith.constant 1.22085214E-4 : f32
    %parallel_loop3A_10 = arith.constant 36.5529289 : f32
    %parallel_loop3A_11 = arith.constant 0.995547354 : f32
    %parallel_loop3A_12 = arith.constant 1.32839304E-16 : f32
    %parallel_loop3A_13 = arith.constant 4.452630e-03 : f32
    %parallel_loop3A_14 = arith.constant -37.471489 : f32
    scf.for %parallel_loop3A_15 = %parallel_loop3A to %parallel_loop3A_5 step %parallel_loop3A_6  : i32 {
      %parallel_loop3A_16 = arith.index_cast %parallel_loop3A_15 : i32 to index
      %parallel_loop3A_17 = tpu.vector_load %arg4[%parallel_loop3A_16] {strides = array<i32>} : memref<512xf32, #tpu.memory_space<vmem>>, vector<16xf32>,
      %parallel_loop3A_18 = arith.constant 0.000000e+00 : f32
      %parallel_loop3A_19 = vector.broadcast %parallel_loop3A_18 : f32 to vector<16xf32>
      %parallel_loop3A_20 = arith.maximumf %parallel_loop3A_17, %parallel_loop3A_19 : vector<16xf32>
      %parallel_loop3A_21 = vector.broadcast %parallel_loop3A_7 : f32 to vector<16xf32>
      %parallel_loop3A_22 = arith.minimumf %parallel_loop3A_20, %parallel_loop3A_21 : vector<16xf32>
      %parallel_loop3A_23 = vector.broadcast %parallel_loop3A_8 : f32 to vector<16xf32>
      %parallel_loop3A_24 = arith.mulf %parallel_loop3A_22, %parallel_loop3A_23 : vector<16xf32>
      %parallel_loop3A_25 = arith.fptosi %parallel_loop3A_24 : vector<16xf32> to vector<16xi32>
      %parallel_loop3A_26 = arith.constant 8190 : i32
      %parallel_loop3A_27 = vector.broadcast %parallel_loop3A_26 : i32 to vector<16xi32>
      %parallel_loop3A_28 = arith.minsi %parallel_loop3A_25, %parallel_loop3A_27 : vector<16xi32>
      %parallel_loop3A_29 = arith.sitofp %parallel_loop3A_28 : vector<16xi32> to vector<16xf32>
      %parallel_loop3A_30 = vector.broadcast %parallel_loop3A_9 : f32 to vector<16xf32>
      %parallel_loop3A_31 = arith.mulf %parallel_loop3A_29, %parallel_loop3A_30 : vector<16xf32>
      %parallel_loop3A_32 = arith.subf %parallel_loop3A_22, %parallel_loop3A_31 : vector<16xf32>
      %parallel_loop3A_33 = arith.constant 0.000000e+00 : f32
      %parallel_loop3A_34 = arith.subf %parallel_loop3A_33, %parallel_loop3A_10 : f32
      %parallel_loop3A_35 = vector.broadcast %parallel_loop3A_34 : f32 to vector<16xf32>
      %parallel_loop3A_36 = arith.mulf %parallel_loop3A_35, %parallel_loop3A_32 : vector<16xf32>
      %parallel_loop3A_37 = math.exp %parallel_loop3A_36 : vector<16xf32>
      %parallel_loop3A_38 = arith.constant 0.000000e+00 : f32
      %parallel_loop3A_39 = arith.subf %parallel_loop3A_38, %parallel_loop3A_10 : f32
      %parallel_loop3A_40 = vector.broadcast %parallel_loop3A_39 : f32 to vector<16xf32>
      %parallel_loop3A_41 = arith.mulf %parallel_loop3A_40, %parallel_loop3A_22 : vector<16xf32>
      %parallel_loop3A_42 = math.exp %parallel_loop3A_41 : vector<16xf32>
      %parallel_loop3A_43 = vector.broadcast %parallel_loop3A_11 : f32 to vector<16xf32>
      %parallel_loop3A_44 = arith.divf %parallel_loop3A_43, %parallel_loop3A_37 : vector<16xf32>
      %parallel_loop3A_45 = vector.broadcast %parallel_loop3A_11 : f32 to vector<16xf32>
      %parallel_loop3A_46 = arith.mulf %parallel_loop3A_42, %parallel_loop3A_45 : vector<16xf32>
      %parallel_loop3A_47 = vector.broadcast %parallel_loop3A_12 : f32 to vector<16xf32>
      %parallel_loop3A_48 = arith.divf %parallel_loop3A_47, %parallel_loop3A_42 : vector<16xf32>
      %parallel_loop3A_49 = arith.addf %parallel_loop3A_37, %parallel_loop3A_44 : vector<16xf32>
      %parallel_loop3A_50 = arith.mulf %parallel_loop3A_29, %parallel_loop3A_49 : vector<16xf32>
      %parallel_loop3A_51 = vector.broadcast %parallel_loop3A_13 : f32 to vector<16xf32>
      %parallel_loop3A_52 = arith.mulf %parallel_loop3A_50, %parallel_loop3A_51 : vector<16xf32>
      %parallel_loop3A_53 = arith.addf %parallel_loop3A_52, %parallel_loop3A_44 : vector<16xf32>
      %parallel_loop3A_54 = vector.broadcast %parallel_loop3A_11 : f32 to vector<16xf32>
      %parallel_loop3A_55 = arith.mulf %parallel_loop3A_37, %parallel_loop3A_54 : vector<16xf32>
      %parallel_loop3A_56 = arith.subf %parallel_loop3A_53, %parallel_loop3A_55 : vector<16xf32>
      %parallel_loop3A_57 = arith.addf %parallel_loop3A_56, %parallel_loop3A_46 : vector<16xf32>
      %parallel_loop3A_58 = vector.broadcast %parallel_loop3A_14 : f32 to vector<16xf32>
      %parallel_loop3A_59 = arith.mulf %parallel_loop3A_58, %parallel_loop3A_48 : vector<16xf32>
      %parallel_loop3A_60 = arith.addf %parallel_loop3A_57, %parallel_loop3A_59 : vector<16xf32>
      %parallel_loop3A_61 = arith.subf %parallel_loop3A_49, %parallel_loop3A_46 : vector<16xf32>
      %parallel_loop3A_62 = arith.subf %parallel_loop3A_61, %parallel_loop3A_48 : vector<16xf32>
      %parallel_loop3A_63 = vector.broadcast %parallel_loop3A_9 : f32 to vector<16xf32>
      %parallel_loop3A_64 = arith.mulf %parallel_loop3A_63, %parallel_loop3A_60 : vector<16xf32>
      %parallel_loop3A_65 = vector.broadcast %parallel_loop3A_13 : f32 to vector<16xf32>
      %parallel_loop3A_66 = arith.mulf %parallel_loop3A_65, %parallel_loop3A_62 : vector<16xf32>
      %parallel_loop3A_67 = arith.divf %parallel_loop3A_64, %parallel_loop3A_66 : vector<16xf32>
      %parallel_loop3A_68 = arith.index_cast %parallel_loop3A_15 : i32 to index
      %parallel_loop3A_69 = tpu.vector_load %arg5[%parallel_loop3A_68] {strides = array<i32>} : memref<512xf32, #tpu.memory_space<vmem>>, vector<16xf32>,
      tpu.vector_store %arg5[%parallel_loop3A_68], %parallel_loop3A_67 {strides = array<i32>} : memref<512xf32, #tpu.memory_space<vmem>>, vector<16xf32>,
    } {sc.loop_unroll_factor = 1 : i64, sc.parallel_access}
    "tpu.region"() ({
      %run_scoped3A = tpu.sem_alloc : memref<!tpu.dma_semaphore, #tpu.memory_space<semaphore_mem>>
      %dma_start3A_15 = tpu.memref_slice %arg3[%mul3A_2] : memref<16384xf32, #tpu.memory_space<hbm>> -> memref<512xf32, #tpu.memory_space<hbm>>
      %dma_start3A_16 = tpu.memref_slice %arg3[%mul3A_2] : memref<16384xf32, #tpu.memory_space<hbm>> -> memref<512xf32, #tpu.memory_space<hbm>>
      tpu.enqueue_dma source(%arg5 : memref<512xf32, #tpu.memory_space<vmem>>) target(%dma_start3A_16 : memref<512xf32, #tpu.memory_space<hbm>>) target_semaphore(%run_scoped3A : memref<!tpu.dma_semaphore, #tpu.memory_space<semaphore_mem>>)
      %dma_wait3A_17 = tpu.memref_slice %arg3[%mul3A_2] : memref<16384xf32, #tpu.memory_space<hbm>> -> memref<512xf32, #tpu.memory_space<hbm>>
      %dma_wait3A_18 = tpu.memref_slice %arg3[%mul3A_2] : memref<16384xf32, #tpu.memory_space<hbm>> -> memref<512xf32, #tpu.memory_space<hbm>>
      tpu.wait_dma2 semaphore(%run_scoped3A : memref<!tpu.dma_semaphore, #tpu.memory_space<semaphore_mem>>) src(%arg5 : memref<512xf32, #tpu.memory_space<vmem>>) dst(%dma_wait3A_18 : memref<512xf32, #tpu.memory_space<hbm>>)
      tpu.yield
    }) : () -> ()
    return
  }
}

</mosaic_0001>

<sc_bundles>
// kernel: kernel.3.cloned.1.call-start
scs
__scs_entry_jumppad:
0x0: {  	(pc) =	sbr.rel $0x88, $3  }
0x1: {  	(tag) =	ssettag $0x0;
	lr =	simm.s32 $0x1  }
0x2: {  	[smem:$0x3FA0] =	sst lr;
	_ =	strace $0xD0000000  }
0x3: {  	_ = 	snop  }
0x4: {  	_ = 	snop  }
0x5: {  	_ = 	snop  }
0x6: {  	_ = 	snop  }
0x7: {  	_ = 	snop  }
__scs_overlays_trampoline_lowered:
0x8: {  	[smem:$0x3FAF] =	sst s0  }
0x9: {  	[smem:$0x3FB0] =	sst s1  }
0xa: {  	[smem:$0x3FB1] =	sst s2  }
0xb: {  	[smem:$0x3FB2] =	sst s3  }
0xc: {  	[smem:$0x3FB3] =	sst s4  }
0xd: {  	[smem:$0x3FB4] =	sst s5  }
0xe: {  	[smem:$0x3FB5] =	sst s6  }
0xf: {  	[smem:$0x3FB6] =	sst s7  }
0x10: {  	[smem:$0x3FB7] =	sst s8  }
0x11: {  	[smem:$0x3FB8] =	sst s9;
	s0 =	simm.s32 @!p0 $0x0  }
0x12: {  	s1 =	sld [smem:$0x3F9E];
	s0 =	simm.s32 @p0 $0x1  }
0x13: {  	[smem:$0x3FB9] =	sst s0;
	s0 =	simm.s32 @!p1 $0x0  }
0x14: {  	s2 =	sld [smem:$0x3F9D];
	s0 =	simm.s32 @p1 $0x1  }
0x15: {  	[smem:$0x3FBA] =	sst s0;
	s0 =	simm.s32 @!p2 $0x0  }
0x16: {  	s3 =	sld [smem:$0x3FDB];
	s0 =	simm.s32 @p2 $0x1  }
0x17: {  	s4 =	simm.s32 $0x1BF5;
	[smem:$0x3FBC] =	sst s0  }
0x18: {  	s0 =	sld [smem:$0x3F9F];
	_ =	swait.ge [sflag:s4], $0x0  }
0x19: {  	s7 =	sld [smem:$0x3FA0]  }
0x1a: {  	s8 =	sadd.s32 $0xFFFFE003, lr  }
0x1b: {  	s9 =	sadd.s32 $0xFFFFFEF7, lr;
	s5 =	simm.s32 $0xFFFFFFFF;
	p2 =	slt.u32 s8, $0xFFFFF086  }
0x1c: {  	p1 =	slt.u32 s9, $0xF7A;
	s5 =	simm.s32 @!p2 $0x0  }
0x1d: {  	s5 =	simm.s32 @p1 $0x1;
	p0 =	seq.s32 s7, s2  }
0x1e: {  	s7 =	smul.u32 @!p0 $0xF7A, s2;
	p2 =	seq.s32 @!p0 s5, $0x0  }
0x1f: {  	s9 =	smul.u32 $0xF7A, s1;
	s8 =	simm.s32 @!p0 $0x1BF5;
	p2 =	por !p2, p0  }
0x20: {  	[sflag:s8] =	ssyncset.s32 @!p0 $0xFFFFF086;
	s6 =	sadd.s32 @!p0 s3, s7;
	s7 =	simm.s32 @!p0 $0x108  }
0x21: {  	s3 =	sadd.s32 s3, s9;
	s6 =	sadd.s32 @!p0 $0x88, s6;
	s7 =	simm.s32 @p2 $0x1082  }
0x22: {  	[simem:s7], [sflag:s8] =	dma.local @!p0 [hbm:s6], $0xF7A  }
0x23: {  	s9 =	sor.u32 $0xD0000000, s2;
	s6 =	simm.s32 $0x108;
	_ =	swait.ge @!p0 [sflag:s8], $0x0  }
0x24: {  	s3 =	sadd.s32 $0x88, s3;
	s6 =	simm.s32 @!p1 $0x1082;
	[sflag:s4] =	ssyncset.s32 $0xFFFFF086  }
0x25: {  	[simem:s6], [sflag:s4] =	dma.local [hbm:s3], $0xF7A  }
0x26: {  	[smem:$0x3FA0] =	sst s1;
	(tag) =	ssettag s2;
	_ =	strace s9  }
0x27: {  	s1 =	sld [smem:$0x3FB0]  }
0x28: {  	s2 =	sld [smem:$0x3FB1]  }
0x29: {  	s4 =	sld [smem:$0x3FB3]  }
0x2a: {  	p0 =	seq.s32 s5, $0x0;
	s5 =	sld [smem:$0x3FB4]  }
0x2b: {  	s6 =	sld [smem:$0x3FB5]  }
0x2c: {  	s7 =	sld [smem:$0x3FB6]  }
0x2d: {  	s3 =	simm.s32 $0x108;
	s8 =	sld [smem:$0x3FB7]  }
0x2e: {  	s3 =	simm.s32 @!p0 $0x1082;
	s9 =	sld [smem:$0x3FB8]  }
0x2f: {  	lr =	sadd.s32 s0, s3;
	s0 =	sld [smem:$0x3FAF]  }
0x30: {  	s3 =	sld [smem:$0x3FB2]  }
0x31: {  	[smem:$0x3FBB] =	sst s10  }
0x32: {  	s10 =	sld [smem:$0x3FB9];
	_ =	sdelay $0x3  }
0x33: {  	p0 =	seq.s32 s10, $0x1;
	s10 =	sld [smem:$0x3FBB];
	_ =	sdelay $0x3  }
0x34: {  	[smem:$0x3FBB] =	sst s10  }
0x35: {  	s10 =	sld [smem:$0x3FBA];
	_ =	sdelay $0x3  }
0x36: {  	p1 =	seq.s32 s10, $0x1;
	s10 =	sld [smem:$0x3FBB];
	_ =	sdelay $0x3  }
0x37: {  	[smem:$0x3FBB] =	sst s10  }
0x38: {  	s10 =	sld [smem:$0x3FBC]  }
0x39: {  	_ = 	snop;
	(pc) =	sbr.ind lr, $3  }
0x3a: {  	_ = 	snop  }
0x3b: {  	_ = 	snop  }
0x3c: {  	p2 =	seq.s32 s10, $0x1;
	s10 =	sld [smem:$0x3FBB]  }
0x3d: {  	_ =	shalt  }
0x3e: {  	_ =	shalt  }
0x3f: {  	_ =	shalt  }
0x40: {  	_ =	shalt  }
0x41: {  	_ =	shalt  }
0x42: {  	_ =	shalt  }
0x43: {  	_ =	shalt  }
0x44: {  	_ =	shalt  }
0x45: {  	_ =	shalt  }
0x46: {  	_ =	shalt  }
0x47: {  	_ =	shalt  }
0x48: {  	_ =	shalt  }
0x49: {  	_ =	shalt  }
0x4a: {  	_ =	shalt  }
0x4b: {  	_ =	shalt  }
0x4c: {  	_ =	shalt  }
0x4d: {  	_ =	shalt  }
0x4e: {  	_ =	shalt  }
0x4f: {  	_ =	shalt  }
0x50: {  	_ =	shalt  }
0x51: {  	_ =	shalt  }
0x52: {  	_ =	shalt  }
0x53: {  	_ =	shalt  }
0x54: {  	_ =	shalt  }
0x55: {  	_ =	shalt  }
0x56: {  	_ =	shalt  }
0x57: {  	_ =	shalt  }
0x58: {  	_ =	shalt  }
0x59: {  	_ =	shalt  }
0x5a: {  	_ =	shalt  }
0x5b: {  	_ =	shalt  }
0x5c: {  	_ =	shalt  }
0x5d: {  	_ =	shalt  }
0x5e: {  	_ =	shalt  }
0x5f: {  	_ =	shalt  }
0x60: {  	_ =	shalt  }
0x61: {  	_ =	shalt  }
0x62: {  	_ =	shalt  }
0x63: {  	_ =	shalt  }
0x64: {  	_ =	shalt  }
0x65: {  	_ =	shalt  }
0x66: {  	_ =	shalt  }
0x67: {  	_ =	shalt  }
0x68: {  	_ =	shalt  }
0x69: {  	_ =	shalt  }
0x6a: {  	_ =	shalt  }
0x6b: {  	_ =	shalt  }
0x6c: {  	_ =	shalt  }
0x6d: {  	_ =	shalt  }
0x6e: {  	_ =	shalt  }
0x6f: {  	_ =	shalt  }
0x70: {  	_ =	shalt  }
0x71: {  	_ =	shalt  }
0x72: {  	_ =	shalt  }
0x73: {  	_ =	shalt  }
0x74: {  	_ =	shalt  }
0x75: {  	_ =	shalt  }
0x76: {  	_ =	shalt  }
0x77: {  	_ =	shalt  }
0x78: {  	_ =	shalt  }
0x79: {  	_ =	shalt  }
0x7a: {  	_ =	shalt  }
0x7b: {  	_ =	shalt  }
0x7c: {  	_ =	shalt  }
0x7d: {  	_ =	shalt  }
0x7e: {  	_ =	shalt  }
0x7f: {  	_ =	shalt  }
0x80: {  	_ =	shalt  }
0x81: {  	_ =	shalt  }
0x82: {  	_ =	shalt  }
0x83: {  	_ =	shalt  }
0x84: {  	_ =	shalt  }
0x85: {  	_ =	shalt  }
0x86: {  	_ =	shalt  }
0x87: {  	_ =	shalt  }
.Lfunc_end0:
.L_simem_size_0:
called_computation_lowered:
.L_overlay_start_0:
0x88: {  	s2 =	sld [smem:$0x3FD9]  }
0x89: {  	s3 =	sld [smem:$0x3FFE];
	_ =	sdelay $0x1  }
0x8a: {  	s1 =	srdreg.scid  }
0x8b: {  	s0 =	sand.u32 $0x1, s1  }
0x8c: {  	s18 =	sshll.u32 s0, $0xA;
	s2 =	sadd.s32 s3, s2  }
0x8d: {  	s2 =	sadd.s32 s2, s18  }
0x8e: {  	[smem:$0x3FC7] =	sst s2  }
0x8f: {  	_ = 	snop  }
0x90: {  	s2 =	sld [smem:$0x3FC9]  }
0x91: {  	s19 =	sld [smem:$0x3FD0];
	(tm) =	ssettm $0x1  }
0x92: {  	s4 =	sld [smem:$0x3FFB];
	_ =	sdelay $0x3  }
0x93: {  	_ =	strace s4  }
0x94: {  	s4 =	sld [smem:$0x3FFC];
	_ =	sdelay $0x3  }
0x95: {  	_ =	strace s4  }
0x96: {  	s4 =	sld [smem:$0x3FFD];
	_ =	sdelay $0x3  }
0x97: {  	_ =	strace s4  }
0x98: {  	_ =	strace $0x8FFFFFFF  }
0x99: {  	s20 =	sld [smem:$0x3FDB];
	_ =	sdelay $0x1  }
0x9a: {  	s5 =	simm.s32 $_scs_section_size  }
0x9b: {  	s6 =	simm.s32 $_size__tile_overlayer_lowered;
	s7 =	simm.s32 $_tile_overlayer_lowered  }
0x9c: {  	s23 =	simm.s32 $0x1BFF;
	s22 =	sshll.u32 s7, $0x1;
	s4 =	sadd.s32 s5, s20  }
0x9d: {  	s8 =	simm.s32 $0x0;
	s21 =	sshll.u32 s6, $0x1;
	s6 =	sadd.s32 s22, s4  }
0x9e: {  	[timem:s8], [sflag:s23] =	dma.local [hbm:s6], s21  }
0x9f: {  	_ =	swait.ge [sflag:s23], s21  }
0xa0: {  	s5 =	ssub.s32 $0x0, s21;
	[sflag:s23] =	ssyncset.done $0x0  }
0xa1: {  	[sflag:s23] =	ssyncadd.s32 s5;
	_ =	sdelay $0x1  }
0xa2: {  	s24 =	simm.s32 $0x1B8B  }
0xa3: {  	_ =	swait.ge [sflag:s24], $0x1  }
0xa4: {  	[sflag:s24] =	ssyncset.done $0x0  }
0xa5: {  	s25 =	simm.s32 $0x1B8E;
	[sflag:s24] =	ssyncadd.s32 $0xFFFFFFFF  }
0xa6: {  	s26 =	simm.s32 $execute0_lowered;
	[smem:$0x3FD2] =	sst s25  }
0xa7: {  	s5 =	sshll.u32 s26, $0x1;
	_ =	strace $0x80000046;
	[dreg:$0x1] =	wrdreg $0xFFFFFFFF  }
0xa8: {  	s28 =	simm.s32 $_size_execute0_lowered;
	s4 =	sadd.s32 s4, s5;
	[dreg:$0x0] =	wrdreg $0x0  }
0xa9: {  	s5 =	sshll.u32 s28, $0x1;
	[dreg:$0x2] =	wrdreg s4  }
0xaa: {  	[dreg:$0x3] =	wrdreg s5  }
0xab: {  	[dreg:$0x4] =	wrdreg $0xC0  }
0xac: {  	_ =	task [dreg:s8], $0x5FFFF  }
0xad: {  	[dreg:$0x1] =	wrdreg $0xFFFFFFFF  }
0xae: {  	[dreg:$0x0] =	wrdreg $0x60  }
0xaf: {  	[dreg:$0x2] =	wrdreg s2  }
0xb0: {  	[dreg:$0x3] =	wrdreg s19  }
0xb1: {  	[dreg:$0x4] =	wrdreg $0x9  }
0xb2: {  	_ =	task.clear_ibuf [dreg:s8], $0x5FFFF;
	_ =	strace $0x90000046  }
0xb3: {  	s29 =	simm.s32 $0x9;
	_ =	strace $0x80000048  }
0xb4: {  	_ =	swait.ge [sflag:s29], $0x1  }
0xb5: {  	[sflag:s29] =	ssyncadd.s32 $0xFFFFFFFF  }
0xb6: {  	_ =	strace $0x90000048  }
0xb7: {  	_ =	sfence  }
0xb8: {  	s30 =	sld [smem:$0x0];
	_ =	sdelay $0x2  }
0xb9: {  	s31 =	sshll.u32 s1, $0xD;
	s1 =	sshrl.u32 s1, $0x2  }
0xba: {  	s3 =	sand.u32 $0x4000, s31;
	s1 =	sadd.s32 s1, s30  }
0xbb: {  	s0 =	sor.u32 s3, s0;
	s1 =	sshll.u32 s1, $0x11  }
0xbc: {  	s0 =	sor.u32 s1, s0  }
0xbd: {  	s0 =	sadd.s32 $0x8F2B, s0  }
0xbe: {  	[sflag:s0] =	ssyncadd.remote.s32 $0x1  }
0xbf: {  	_ =	sfence.sel $0xFFFF  }
0xc0: {  	[dreg:$0x0] =	wrdreg $0xFFFFFFFF;
	(pc) =	sbr.abs _section_cstart, $3  }
0xc1: {  	[dreg:$0x1] =	wrdreg $0xFFFFFFFF  }
0xc2: {  	_ =	task.clear_ibuf [dreg:s8], $0x2FFFF;
	_ =	strace $0x9FFFFFFF  }
0xc3: {  	(tm) =	ssettm $0x7FFFFFFF  }
tec
execute0_lowered:
.L_overlay_start_1:
0x0: {  	(tag) =	ssettag $0x1  }
0x1: {  	s3 =	rddreg [dreg:$0x0]  }
0x2: {  	s4 =	rddreg [dreg:$0x1]  }
0x3: {  	s0 =	rddreg [dreg:$0x2];
	s5 =	srdreg.scid  }
0x4: {  	s2 =	simm.s32 $0x0;
	s1 =	stileid.u32;
	s9 =	simm.s32 $0x0  }
0x5: {  	s5 =	sand.u32 $0x1, s5;
	s7 =	sshll.u32 s1, $0x7;
	[smem:$0x7FF] =	sst s2  }
0x6: {  	s6 =	ssub.s32 $0x2, s5;
	s5 =	sshll.u32 s5, $0x6;
	_ =	strace $0x80000047  }
0x7: {  	s8 =	sshrl.u32 s6, $0x1;
	s5 =	sor.u32 s5, s7;
	s7 =	simm.s32 $0x200  }
0x8: {  	s6 =	ssub.s32 s6, s8;
	s3 =	sadd.s32 s3, s5;
	s4 =	sadd.s32 s4, s5  }
0x9: {  	s8 =	simm.s32 $0x2;
	s5 =	smax.u32 s6, $0x1;
	s6 =	simm.s32 $0x1  }
.LBB2_1:
0xa: {  	[tilespmem:s2], [sflag:$0x1] =	stream.linear.gather [hbm4b:s3+s2], $0x200, $0x38;
	[tilespmem:$0x400] =	vst v63  }
0xb: {  	_ =	swait.ge [sflag:s6], $0x200  }
0xc: {  	[sflag:s6] =	ssyncset.done $0x0  }
0xd: {  	[sflag:s6] =	ssyncadd.s32 $0xFFFFFE00  }
0xe: {  	v0 =	vld [tilespmem:s2+$0x0];
	_ =	sdelay $0x4  }
0xf: {  	v0 =	vmax.f32 v0, $0.0e+00  }
0x10: {  	v0 =	vmin.f32 v0, $1.000000000e+00  }
0x11: {  	v1 =	vmul.f32 $8.191000000e+03, v0;
	_ =	sdelay $0x1  }
0x12: {  	v1 =	vtrunc.f32 v1  }
0x13: {  	v1 =	vcvt.f32.s32 v1  }
0x14: {  	s10 =	simm.s32 $0x10  }
0x15: {  	v2 =	vld [tilespmem:s10+$0x0];
	vm0 =	vlt.s32 v1, $0x1FFE  }
0x16: {  	v1 =	vnsel vm0, $0x1FFE, v1  }
0x17: {  	v1 =	vcvt.s32.f32 v1;
	_ =	sdelay $0x1  }
0x18: {  	v3 =	vmul.f32 $1.220852140e-04, v1  }
0x19: {  	v2 =	vmax.f32 v2, $0.0e+00  }
0x1a: {  	v2 =	vmin.f32 v2, $1.000000000e+00;
	v3 =	vsub.f32 v0, v3  }
0x1b: {  	v4 =	vmul.f32 $8.191000000e+03, v2  }
0x1c: {  	v3 =	vmul.f32 $-3.655292890e+01, v3  }
0x1d: {  	v4 =	vtrunc.f32 v4  }
0x1e: {  	s28 =	simm.s32 $0x20;
	v4 =	vcvt.f32.s32 v4;
	v3 =	vmul.f32 $1.442695020e+00, v3  }
0x1f: {  	v5 =	vld [tilespmem:s28+$0x0];
	v0 =	vmul.f32 $-3.655292890e+01, v0  }
0x20: {  	vm12 =	vlt.s32 v4, $0x1FFE;
	(erf) = vpow2.f32 v3  }
0x21: {  	v0 =	vmul.f32 $1.442695020e+00, v0;
	v3 =	vnsel vm12, $0x1FFE, v4  }
0x22: {  	v3 =	vcvt.s32.f32 v3  }
0x23: {  	(erf) = vpow2.f32 v0  }
0x24: {  	v0 =	vmax.f32 v5, $0.0e+00;
	v4 =	vmul.f32 $1.220852140e-04, v3  }
0x25: {  	v5 =	vmin.f32 v0, $1.000000000e+00  }
0x26: {  	v0 =	vmul.f32 $8.191000000e+03, v5;
	v4 =	vsub.f32 v2, v4;
	_ =	sdelay $0x1  }
0x27: {  	v0 =	vtrunc.f32 v0;
	v4 =	vmul.f32 $-3.655292890e+01, v4  }
0x28: {  	v2 =	vmul.f32 $-3.655292890e+01, v2;
	v0 =	vcvt.f32.s32 v0;
	v6 =	vpop (erf)  }
0x29: {  	v4 =	vmul.f32 $1.442695020e+00, v4;
	(erf) = vrcp.f32 v6  }
0x2a: {  	vm13 =	vlt.s32 v0, $0x1FFE  }
0x2b: {  	s29 =	simm.s32 $0x30;
	v2 =	vmul.f32 $1.442695020e+00, v2;
	v0 =	vnsel vm13, $0x1FFE, v0;
	v7 =	vpop (erf);
	(erf) = vpow2.f32 v4  }
0x2c: {  	v0 =	vcvt.s32.f32 v0;
	v4 =	vld [tilespmem:s29+$0x0];
	(erf) = vrcp.f32 v7;
	_ =	sdelay $0x1  }
0x2d: {  	(erf) = vpow2.f32 v2;
	v2 =	vmul.f32 $1.220852140e-04, v0;
	_ =	sdelay $0x1  }
0x2e: {  	v2 =	vsub.f32 v5, v2  }
0x2f: {  	v4 =	vmax.f32 v4, $0.0e+00  }
0x30: {  	v7 =	vmul.f32 $9.955473540e-01, v7;
	v4 =	vmin.f32 v4, $1.000000000e+00;
	v2 =	vmul.f32 $-3.655292890e+01, v2;
	v8 =	vpop (erf)  }
0x31: {  	v9 =	vmul.f32 $8.191000000e+03, v4;
	v8 =	vmul.f32 $9.955473540e-01, v8  }
0x32: {  	v5 =	vmul.f32 $-3.655292890e+01, v5;
	v2 =	vmul.f32 $1.442695020e+00, v2;
	v10 =	vpop (erf)  }
0x33: {  	s30 =	simm.s32 $0x40;
	v9 =	vtrunc.f32 v9;
	(erf) = vrcp.f32 v10;
	v12 =	vpop (erf);
	v11 =	vadd.f32 v8, v6  }
0x34: {  	v15 =	vld [tilespmem:s30+$0x0];
	v9 =	vcvt.f32.s32 v9;
	v12 =	vmul.f32 $1.328393040e-16, v12  }
0x35: {  	v14 =	vpop (erf);
	(erf) = vpow2.f32 v2;
	v13 =	vsub.f32 v11, v7;
	v1 =	vmul.f32 v1, v11  }
0x36: {  	v2 =	vmul.f32 $1.442695020e+00, v5;
	vm14 =	vlt.s32 v9, $0x1FFE;
	(erf) = vrcp.f32 v14  }
0x37: {  	v9 =	vnsel vm14, $0x1FFE, v9;
	v5 =	vsub.f32 v13, v12;
	v11 =	vmul.f32 $4.452629950e-03, v1  }
0x38: {  	(erf) = vpow2.f32 v2;
	v1 =	vcvt.s32.f32 v9  }
0x39: {  	v5 =	vmul.f32 $4.452629950e-03, v5;
	v2 =	vadd.f32 v11, v8;
	v8 =	vmax.f32 v15, $0.0e+00  }
0x3a: {  	v6 =	vmul.f32 $9.955473540e-01, v6;
	v9 =	vmul.f32 $1.220852140e-04, v1  }
0x3b: {  	v11 =	vmul.f32 $-3.655292890e+01, v4;
	(erf) = vrcp.f32 v5;
	v5 =	vmin.f32 v8, $1.000000000e+00  }
0x3c: {  	v4 =	vsub.f32 v4, v9;
	v6 =	vsub.f32 v2, v6;
	v8 =	vpop (erf);
	v9 =	vmul.f32 $8.191000000e+03, v5  }
0x3d: {  	v12 =	vmul.f32 $-3.747148900e+01, v12;
	v8 =	vmul.f32 $9.955473540e-01, v8  }
0x3e: {  	v13 =	vmul.f32 $9.955473540e-01, v14;
	v4 =	vmul.f32 $-3.655292890e+01, v4;
	v6 =	vadd.f32 v6, v7  }
0x3f: {  	v11 =	vmul.f32 $1.442695020e+00, v11;
	v2 =	vpop (erf);
	v7 =	vtrunc.f32 v9;
	v14 =	vadd.f32 v8, v10  }
0x40: {  	s31 =	simm.s32 $0x50;
	(erf) = vrcp.f32 v2;
	v4 =	vmul.f32 $1.442695020e+00, v4;
	v6 =	vadd.f32 v12, v6;
	v9 =	vpop (erf)  }
0x41: {  	v7 =	vcvt.f32.s32 v7;
	v12 =	vld [tilespmem:s31+$0x0];
	v9 =	vmul.f32 $1.328393040e-16, v9;
	v15 =	vsub.f32 v14, v13  }
0x42: {  	(erf) = vpow2.f32 v4;
	v3 =	vmul.f32 v3, v14  }
0x43: {  	v16 =	vpop (erf);
	v6 =	vmul.f32 $1.220852140e-04, v6;
	vm15 =	vlt.s32 v7, $0x1FFE;
	v4 =	vsub.f32 v15, v9  }
0x44: {  	(erf) = vrcp.f32 v16;
	v7 =	vnsel vm15, $0x1FFE, v7;
	v3 =	vmul.f32 $4.452629950e-03, v3  }
0x45: {  	v14 =	vmul.f32 $4.452629950e-03, v4;
	v15 =	vpop (erf);
	v4 =	vcvt.s32.f32 v7  }
0x46: {  	(erf) = vpow2.f32 v11;
	v7 =	vmax.f32 v12, $0.0e+00;
	v11 =	vmul.f32 v6, v15  }
0x47: {  	v3 =	vadd.f32 v3, v8;
	v6 =	vmul.f32 $9.955473540e-01, v10;
	(erf) = vrcp.f32 v14  }
0x48: {  	v8 =	vmin.f32 v7, $1.000000000e+00;
	v10 =	vmul.f32 $1.220852140e-04, v4  }
0x49: {  	v12 =	vmul.f32 $-3.655292890e+01, v5;
	v14 =	vmul.f32 $8.191000000e+03, v8;
	v7 =	vpop (erf);
	v3 =	vsub.f32 v3, v6  }
0x4a: {  	v5 =	vsub.f32 v5, v10;
	v7 =	vmul.f32 $9.955473540e-01, v7  }
0x4b: {  	v9 =	vmul.f32 $-3.747148900e+01, v9;
	v12 =	vmul.f32 $1.442695020e+00, v12;
	v13 =	vadd.f32 v3, v13  }
0x4c: {  	v6 =	vpop (erf);
	v3 =	vmul.f32 $9.955473540e-01, v16;
	v5 =	vmul.f32 $-3.655292890e+01, v5;
	v10 =	vadd.f32 v7, v2  }
0x4d: {  	v16 =	vtrunc.f32 v14;
	(erf) = vrcp.f32 v6;
	v14 =	vpop (erf);
	v9 =	vadd.f32 v9, v13  }
0x4e: {  	v15 =	vmul.f32 $1.442695020e+00, v5;
	v5 =	vmul.f32 $1.328393040e-16, v14;
	v14 =	vsub.f32 v10, v3  }
0x4f: {  	s11 =	simm.s32 $0x50;
	s12 =	simm.s32 $0x60;
	s10 =	simm.s32 $0x200;
	[tilespmem:s7+$0x0] =	vst v11;
	v13 =	vcvt.f32.s32 v16;
	v11 =	vpop (erf);
	v9 =	vmul.f32 $1.220852140e-04, v9  }
.LBB2_2:
0x50: {  	v16 =	vld [tilespmem:s12+$0x0];
	(erf) = vpow2.f32 v15;
	v10 =	vmul.f32 v0, v10;
	v14 =	vsub.f32 v14, v5;
	v0 =	vpop (erf)  }
0x51: {  	vm0 =	vlt.s32 v13, $0x1FFE;
	(erf) = vrcp.f32 v11;
	v9 =	vmul.f32 v9, v0;
	v0 =	vmovc v1;
	v1 =	vmovc v4  }
0x52: {  	s11 =	sadd.s32 $0x10, s11;
	s10 =	sadd.s32 $0x10, s10;
	v4 =	vnsel vm0, $0x1FFE, v13;
	v10 =	vmul.f32 $4.452629950e-03, v10;
	v13 =	vmul.f32 $4.452629950e-03, v14  }
0x53: {  	p0 =	slt.u32 s11, $0x1F0;
	v4 =	vcvt.s32.f32 v4;
	(erf) = vpow2.f32 v12;
	[tilespmem:s10+$0x0] =	vst v9  }
0x54: {  	v9 =	vmul.f32 $9.955473540e-01, v2;
	v2 =	vmovc v6;
	v7 =	vadd.f32 v10, v7;
	(erf) = vrcp.f32 v13  }
0x55: {  	v6 =	vmax.f32 v16, $0.0e+00;
	v10 =	vmul.f32 $1.220852140e-04, v4  }
0x56: {  	v12 =	vmul.f32 $-3.655292890e+01, v8;
	v6 =	vmin.f32 v6, $1.000000000e+00;
	v13 =	vpop (erf);
	v9 =	vsub.f32 v7, v9  }
0x57: {  	v15 =	vmul.f32 $8.191000000e+03, v6;
	v10 =	vsub.f32 v8, v10;
	v7 =	vmul.f32 $9.955473540e-01, v13;
	v8 =	vmovc v6  }
.Ltmp0:
0x58: {  	v5 =	vmul.f32 $-3.747148900e+01, v5;
	v12 =	vmul.f32 $1.442695020e+00, v12;
	v9 =	vadd.f32 v9, v3;
	(pc) =	sbr.rel @p0 .LBB2_2-.Ltmp0, $4  }
0x59: {  	v3 =	vmul.f32 $9.955473540e-01, v11;
	v13 =	vmul.f32 $-3.655292890e+01, v10;
	v6 =	vpop (erf);
	v10 =	vadd.f32 v7, v2  }
0x5a: {  	v16 =	vtrunc.f32 v15;
	(erf) = vrcp.f32 v6;
	v14 =	vpop (erf);
	v9 =	vadd.f32 v5, v9  }
0x5b: {  	v15 =	vmul.f32 $1.442695020e+00, v13;
	v5 =	vmul.f32 $1.328393040e-16, v14;
	v14 =	vsub.f32 v10, v3  }
0x5c: {  	s12 =	sadd.s32 $0x10, s12;
	v13 =	vcvt.f32.s32 v16;
	v11 =	vpop (erf);
	v9 =	vmul.f32 $1.220852140e-04, v9  }
0x5d: {  	_ = 	snop  }
0x5e: {  	vm0 =	vlt.s32 v13, $0x1FFE  }
0x5f: {  	(erf) = vpow2.f32 v15;
	v13 =	vnsel vm0, $0x1FFE, v13  }
0x60: {  	v13 =	vcvt.s32.f32 v13;
	_ =	sdelay $0x1  }
0x61: {  	(erf) = vrcp.f32 v11;
	v26 =	vmul.f32 $1.220852140e-04, v13  }
0x62: {  	(erf) = vpow2.f32 v12  }
0x63: {  	v27 =	vsub.f32 v14, v5;
	v28 =	vsub.f32 v8, v26;
	_ =	sdelay $0x1  }
0x64: {  	v29 =	vpop (erf);
	v12 =	vmul.f32 $4.452629950e-03, v27;
	v14 =	vmul.f32 $-3.655292890e+01, v28  }
0x65: {  	v16 =	vpop (erf)  }
0x66: {  	(erf) = vrcp.f32 v12;
	v30 =	vpop (erf);
	v14 =	vmul.f32 $1.442695020e+00, v14  }
0x67: {  	v16 =	vmul.f32 $9.955473540e-01, v16;
	(erf) = vrcp.f32 v30  }
0x68: {  	v31 =	vmul.f32 $-3.655292890e+01, v8;
	(erf) = vpow2.f32 v14  }
0x69: {  	v32 =	vmul.f32 $9.955473540e-01, v11;
	v33 =	vadd.f32 v16, v6;
	v17 =	vpop (erf)  }
0x6a: {  	v8 =	vmul.f32 $1.442695020e+00, v31;
	v18 =	vpop (erf)  }
0x6b: {  	v17 =	vmul.f32 $1.328393040e-16, v17;
	v19 =	vsub.f32 v33, v32;
	(erf) = vrcp.f32 v18  }
0x6c: {  	(erf) = vpow2.f32 v8  }
0x6d: {  	v34 =	vsub.f32 v19, v17;
	_ =	sdelay $0x1  }
0x6e: {  	v35 =	vpop (erf);
	v8 =	vmul.f32 $4.452629950e-03, v34  }
0x6f: {  	v20 =	vpop (erf)  }
0x70: {  	(erf) = vrcp.f32 v8;
	v36 =	vpop (erf)  }
0x71: {  	(erf) = vrcp.f32 v36;
	_ =	sdelay $0x1  }
0x72: {  	v21 =	vpop (erf)  }
0x73: {  	v22 =	vpop (erf)  }
0x74: {  	(erf) = vrcp.f32 v22;
	_ =	sdelay $0x3  }
0x75: {  	v23 =	vpop (erf)  }
0x76: {  	v0 =	vmul.f32 v0, v10;
	v37 =	vmul.f32 $9.955473540e-01, v20;
	v38 =	vpop (erf)  }
0x77: {  	v2 =	vmul.f32 $9.955473540e-01, v2;
	v39 =	vmul.f32 $9.955473540e-01, v38  }
0x78: {  	v46 =	vmul.f32 $9.955473540e-01, v6;
	v18 =	vmul.f32 $9.955473540e-01, v18;
	v40 =	vadd.f32 v37, v30  }
0x79: {  	v0 =	vmul.f32 $4.452629950e-03, v0;
	v22 =	vmul.f32 $9.955473540e-01, v22;
	v24 =	vadd.f32 v39, v36  }
0x7a: {  	v1 =	vmul.f32 v1, v33;
	v41 =	vmul.f32 $1.328393040e-16, v21;
	v42 =	vsub.f32 v40, v18;
	v25 =	vpop (erf)  }
0x7b: {  	v0 =	vadd.f32 v0, v7;
	v43 =	vmul.f32 $1.328393040e-16, v25;
	v44 =	vsub.f32 v24, v22  }
0x7c: {  	v1 =	vmul.f32 $4.452629950e-03, v1;
	v4 =	vmul.f32 v4, v40;
	v45 =	vsub.f32 v42, v41  }
0x7d: {  	v52 =	vmul.f32 $9.955473540e-01, v30;
	v13 =	vmul.f32 v13, v24;
	v47 =	vsub.f32 v44, v43  }
0x7e: {  	v1 =	vadd.f32 v1, v16;
	v48 =	vmul.f32 $4.452629950e-03, v4;
	v49 =	vmul.f32 $4.452629950e-03, v45  }
0x7f: {  	v0 =	vsub.f32 v0, v2;
	v50 =	vmul.f32 $4.452629950e-03, v13;
	v51 =	vmul.f32 $4.452629950e-03, v47  }
0x80: {  	v1 =	vsub.f32 v1, v46;
	v2 =	vadd.f32 v48, v37;
	(erf) = vrcp.f32 v49  }
0x81: {  	v8 =	vmul.f32 $9.955473540e-01, v36;
	v6 =	vadd.f32 v50, v39;
	(erf) = vrcp.f32 v51  }
0x82: {  	v53 =	vmul.f32 $-3.747148900e+01, v5;
	v0 =	vadd.f32 v0, v3;
	v2 =	vsub.f32 v2, v52  }
0x83: {  	v54 =	vmul.f32 $-3.747148900e+01, v17;
	v1 =	vadd.f32 v1, v32;
	v55 =	vsub.f32 v6, v8  }
0x84: {  	v0 =	vadd.f32 v53, v0;
	v56 =	vmul.f32 $-3.747148900e+01, v41;
	v2 =	vadd.f32 v2, v18  }
0x85: {  	v1 =	vadd.f32 v54, v1;
	v58 =	vmul.f32 $-3.747148900e+01, v43;
	v57 =	vadd.f32 v55, v22  }
0x86: {  	v0 =	vmul.f32 $1.220852140e-04, v0;
	v2 =	vadd.f32 v56, v2  }
0x87: {  	v59 =	vmul.f32 v9, v29;
	v1 =	vmul.f32 $1.220852140e-04, v1;
	v4 =	vadd.f32 v58, v57  }
0x88: {  	s10 =	sadd.s32 $0x10, s10;
	v0 =	vmul.f32 v0, v35;
	v2 =	vmul.f32 $1.220852140e-04, v2  }
0x89: {  	[tilespmem:s10+$0x0] =	vst v59;
	s10 =	sadd.s32 $0x10, s10;
	v1 =	vmul.f32 v1, v23;
	v60 =	vpop (erf);
	v4 =	vmul.f32 $1.220852140e-04, v4  }
0x8a: {  	[tilespmem:s10+$0x0] =	vst v0;
	s10 =	sadd.s32 $0x10, s10;
	v61 =	vmul.f32 v2, v60;
	v62 =	vpop (erf)  }
0x8b: {  	s9 =	sadd.s32 $0x1, s9;
	[tilespmem:s10+$0x0] =	vst v1;
	s10 =	sadd.s32 $0x10, s10;
	v63 =	vmul.f32 v4, v62  }
0x8c: {  	p0 =	sne.s32 s9, s5;
	[tilespmem:s10+$0x0] =	vst v61;
	s10 =	sadd.s32 $0x10, s10  }
.Ltmp1:
0x8d: {  	[tilespmem:s10+$0x0] =	vst v63;
	(pc) =	sbr.rel @p0 .LBB2_1-.Ltmp1, $4  }
0x8e: {  	[hbm4b:s4+s2] =	stream.linear.scatter [tilespmem:s7], [sflag:$0x2], $0x200, $0x38;
	[tilespmem:$0x400] =	vst v63  }
0x8f: {  	_ =	swait.ge [sflag:s8], $0x200  }
0x90: {  	[sflag:s8] =	ssyncset.done $0x0  }
0x91: {  	[sflag:s8] =	ssyncadd.s32 $0xFFFFFE00  }
0x92: {  	_ =	sfence.sel $0x180000  }
0x93: {  	[bflag:$0x0] =	sbarrier.arrive $0xFFFF  }
0x94: {  	p0 =	sne.s32 s1, $0x0;
	_ =	strace $0x90000047  }
0x95: {  	s0 =	sadd.s32 @!p0 $0x100000, s0;
	[bflag:$0x2] =	sbarrier.arrive $0xFFFF  }
0x96: {  	[sflag:s0] =	ssyncadd.tile.s32 @!p0 $0x1;
	_ =	shalt  }
.Lfunc_end2:
_tile_overlayer_lowered:
.L_overlay_start_2:
0x97: {  	(tag) =	ssettag $0x2  }
0x98: {  	s0 =	rddreg [dreg:$0x0];
	s2 =	stileid.u32  }
0x99: {  	s1 =	rddreg [dreg:$0x1];
	p0 =	sne.s32 s2, $0x0  }
0x9a: {  	s3 =	rddreg [dreg:$0x2];
	[bflag:$0x3] =	sbarrier.arrive $0xFFFF;
	s2 =	simm.s32 @!p0 $0x1C02  }
0x9b: {  	[timem:s3], [sflag:s2] =	dma.local @!p0 [hbm:s0], s1  }
0x9c: {  	s0 =	simm.s32 @!p0 $0x2  }
0x9d: {  	_ =	swait.ge @!p0 [sflag:s0], s1  }
0x9e: {  	s1 =	ssub.s32 @!p0 $0x0, s1;
	[sflag:s0] =	ssyncset.done @!p0 $0x0  }
0x9f: {  	[sflag:s0] =	ssyncadd.s32 @!p0 s1  }
0xa0: {  	[bflag:$0x3] =	sbarrier.arrive $0xFFFF  }
0xa1: {  	_ =	shalt  }

</sc_bundles>
